<compile_context>
chip_gen: v7x
topology: tpu7x:2x2x1
jax: 0.10.2.dev20260603
libtpu: 0.0.44.dev20260713+nightly
codegen_flags: <defaults>
</compile_context>

<pallas_src>
import jax
import jax.numpy as jnp
from jax import lax
from jax.experimental import pallas as pl
from jax.experimental.pallas import tpu as pltpu
from jax.experimental.pallas import tpu_sc as plsc

_B = 16384
_F = 26
_V = 100000
_D = 32
_NUM = 13
_E = _F * _D

_NC = 2
_NS = 16
_NW = _NC * _NS
_TOTAL = _B * _F
_PER_W = _TOTAL // _NW
_CH = 1664
_NCH = _PER_W // _CH


def _gather_body(tab_ref, idx_ref, out_ref, idx_v, rows_v, sem):
    wid = lax.axis_index("s") * _NC + lax.axis_index("c")
    w_base = wid * _PER_W

    def chunk(j, carry):
        base = w_base + j * _CH
        pltpu.sync_copy(idx_ref.at[pl.ds(base, _CH)], idx_v)
        pltpu.async_copy(tab_ref.at[idx_v], rows_v, sem).wait()
        pltpu.sync_copy(rows_v, out_ref.at[pl.ds(base, _CH)])
        return carry

    lax.fori_loop(0, _NCH, chunk, 0)


import functools


@functools.cache
def _sc_gather_fn():
    return pl.kernel(
        _gather_body,
        out_type=jax.ShapeDtypeStruct((_TOTAL, _D), jnp.float32),
        mesh=plsc.VectorSubcoreMesh(core_axis_name="c", subcore_axis_name="s"),
        scratch_types=[
            pltpu.VMEM((_CH,), jnp.int32),
            pltpu.VMEM((_CH, _D), jnp.float32),
            pltpu.SemaphoreType.DMA,
        ],
        compiler_params=pltpu.CompilerParams(use_tc_tiling_on_sc=False),
    )

_VB = 50048
_NVB = 2
_VP = _VB * _NVB
_VQ = _VB // 4


_DN = (((0,), (0,)), ((), ()))


def _fmt_body(src_ref, out_ref):
    x = src_ref[0]
    j = pl.program_id(1)
    col = jax.lax.broadcasted_iota(jnp.int32, (_D, _VB), 1) + j * _VB
    x = jnp.where(col < _V, x, 0.0)
    xs = jnp.concatenate([x[:, c * _VQ:(c + 1) * _VQ] for c in range(4)], axis=0)
    out_ref[...] = jax.lax.dot_general(xs, jnp.eye(128, dtype=jnp.float32), _DN,
                                       preferred_element_type=jnp.float32)


def _fmt(tt3, interpret=False):
    return pl.pallas_call(
        _fmt_body,
        grid=(_F, _NVB),
        in_specs=[pl.BlockSpec((1, _D, _VB), lambda f, j: (f, 0, j))],
        out_specs=pl.BlockSpec((_VB // 4, 128), lambda f, j: (f * _NVB + j, 0)),
        out_shape=jax.ShapeDtypeStruct((_F * _VP // 4, 128), jnp.float32),
        interpret=interpret,
    )(tt3)


_BB = 1024


def _mlp_body(emb_ref, num_ref, w1a_ref, w1b_ref, b1_ref, w2_ref, b2_ref, out_ref):
    h = jnp.dot(emb_ref[...], w1a_ref[...], preferred_element_type=jnp.float32)
    h = h + jnp.dot(num_ref[...], w1b_ref[...], preferred_element_type=jnp.float32)
    h = jnp.maximum(h + b1_ref[...], 0.0)
    o = jnp.dot(h, w2_ref[...], preferred_element_type=jnp.float32)
    out_ref[...] = jnp.maximum(o + b2_ref[...], 0.0)


def _mlp(emb, num, w1a, w1b, b1, w2, b2, interpret=False):
    return pl.pallas_call(
        _mlp_body,
        grid=(_B // _BB,),
        in_specs=[
            pl.BlockSpec((_BB, _E), lambda i: (i, 0)),
            pl.BlockSpec((_BB, _NUM), lambda i: (i, 0)),
            pl.BlockSpec((_E, 64), lambda i: (0, 0)),
            pl.BlockSpec((_NUM, 64), lambda i: (0, 0)),
            pl.BlockSpec((1, 64), lambda i: (0, 0)),
            pl.BlockSpec((64, 32), lambda i: (0, 0)),
            pl.BlockSpec((1, 32), lambda i: (0, 0)),
        ],
        out_specs=pl.BlockSpec((_BB, 32), lambda i: (i, 0)),
        out_shape=jax.ShapeDtypeStruct((_B, 32), jnp.float32),
        interpret=interpret,
    )(emb, num, w1a, w1b, b1, w2, b2)


def kernel(cate_inputs, num_inputs, tables, W1, b1, W2, b2):
    v = cate_inputs.astype(jnp.int32)
    f_off = (jnp.arange(_F, dtype=jnp.int32) * _VP)[None, :]
    w = v % _VB
    idx = f_off + (v // _VB) * _VB + 4 * (w % _VQ) + w // _VQ
    tab_lin = _fmt(tables.transpose(0, 2, 1)).reshape(_F * _VP, _D)
    emb = _sc_gather_fn()(tab_lin, idx.reshape(-1))
    emb = emb.reshape(_B, _E)
    return _mlp(emb, num_inputs, W1[:_E], W1[_E:], b1.reshape(1, 64),
                W2, b2.reshape(1, 32))

# --- scband reference (transcript-rebuilt; emitter-appended) ---
"""Pipeline reference for scband-embed-nn-1683627180203 (READ-ONLY COPY).

The authoritative reference and input builder live on the scoring server;
editing this copy changes nothing except your own understanding.
"""

import jax, jax.numpy as jnp
import numpy as np

B = 16384
F = 26
V = 100000
D = 32
NUM_DIM = 13
IN_DIM = F * D + NUM_DIM  # 845


def setup_inputs(seed: int = 0) -> dict:
    key = jax.random.key(seed)
    ks = jax.random.split(key, 8)
    cate_inputs = jax.random.randint(ks[0], (B, F), 0, V, dtype=jnp.int64 if jax.config.read('jax_enable_x64') else jnp.int32)
    num_inputs = jax.random.normal(ks[1], (B, NUM_DIM), dtype=jnp.float32)
    # 26 embedding tables, all with the same (vocab, dim); stack into one [F, V, D] tensor
    tables = jax.random.normal(ks[2], (F, V, D), dtype=jnp.float32) * 0.02
    W1 = jax.random.normal(ks[3], (IN_DIM, 64), dtype=jnp.float32) * (1.0 / np.sqrt(IN_DIM))
    b1 = jnp.zeros((64,), dtype=jnp.float32)
    W2 = jax.random.normal(ks[4], (64, 32), dtype=jnp.float32) * (1.0 / np.sqrt(64))
    b2 = jnp.zeros((32,), dtype=jnp.float32)
    return {"cate_inputs": cate_inputs, "num_inputs": num_inputs, "tables": tables,
            "W1": W1, "b1": b1, "W2": W2, "b2": b2}


def reference(cate_inputs, num_inputs, tables, W1, b1, W2, b2):
    # per-field embedding lookup: emb[b, i] = tables[i, cate_inputs[b, i]]
    field_idx = jnp.arange(F)[None, :]  # [1, F]
    emb = tables[field_idx, cate_inputs]  # [B, F, D] gather
    embedding = emb.reshape(B, F * D)  # torch.cat(embeddings, 1)
    inputs = jnp.concatenate([embedding, num_inputs], axis=1)  # [B, 845]
    h = jax.nn.relu(inputs @ W1 + b1)
    out = jax.nn.relu(h @ W2 + b2)
    return out

if __name__ == "__main__":
    import jax
    _d = setup_inputs()
    print(jax.jit(kernel)(*tuple(_d.values())))

</pallas_src>

<mosaic_0001>
#map = affine_map<(d0, d1) -> (0, 0)>
#map1 = affine_map<(d0, d1) -> (0)>
module attributes {stable_mosaic.version = 14 : i64} {
  func.func @_gather_body(%arg0: i32, %arg1: i32, %arg2: memref<2602496x32xf32, #tpu.memory_space<hbm>>, %arg3: memref<425984xi32, #tpu.memory_space<hbm>>, %arg4: memref<425984x32xf32, #tpu.memory_space<hbm>>, %arg5: memref<1664xi32, #tpu.memory_space<vmem>>, %arg6: memref<1664x32xf32, #tpu.memory_space<vmem>>, %arg7: memref<!tpu.dma_semaphore, #tpu.memory_space<semaphore_mem>>) attributes {dimension_semantics = [#tpu.dimension_semantics<core_parallel>, #tpu.dimension_semantics<subcore_parallel>], iteration_bounds = array<i64: 2, 16>, scalar_prefetch = 0 : i64, scratch_operands = 3 : i64, tpu.core_type = #tpu.core_type<sc_vector_subcore>, window_params = [{transform_indices = #map}, {transform_indices = #map1}, {transform_indices = #map}]} {
    %mul3A = arith.constant 2 : i32
    %mul3A_0 = arith.muli %arg1, %mul3A : i32
    %add3A = arith.addi %mul3A_0, %arg0 : i32
    %mul3A_1 = arith.constant 13312 : i32
    %mul3A_2 = arith.muli %add3A, %mul3A_1 : i32
    %scan3A = arith.constant 0 : i32
    %scan3A_3 = arith.constant 0 : i32
    %scan3A_4 = arith.constant 8 : i32
    %scan3A_5 = arith.addi %scan3A_3, %scan3A_4 : i32
    %scan3A_6 = arith.constant 1 : i32
    scf.for %scan3A_8 = %scan3A_3 to %scan3A_5 step %scan3A_6  : i32 {
      %mul3A_9 = arith.constant 1664 : i32
      %mul3A_10 = arith.muli %scan3A_8, %mul3A_9 : i32
      %add3A_11 = arith.addi %mul3A_2, %mul3A_10 : i32
      "tpu.region"() ({
        %run_scoped3A = tpu.sem_alloc : memref<!tpu.dma_semaphore, #tpu.memory_space<semaphore_mem>>
        %dma_start3A_16 = tpu.memref_slice %arg3[%add3A_11] : memref<425984xi32, #tpu.memory_space<hbm>> -> memref<1664xi32, #tpu.memory_space<hbm>>
        %dma_start3A_17 = tpu.memref_slice %arg3[%add3A_11] : memref<425984xi32, #tpu.memory_space<hbm>> -> memref<1664xi32, #tpu.memory_space<hbm>>
        tpu.enqueue_dma source(%dma_start3A_17 : memref<1664xi32, #tpu.memory_space<hbm>>) target(%arg5 : memref<1664xi32, #tpu.memory_space<vmem>>) target_semaphore(%run_scoped3A : memref<!tpu.dma_semaphore, #tpu.memory_space<semaphore_mem>>)
        %dma_wait3A_18 = tpu.memref_slice %arg3[%add3A_11] : memref<425984xi32, #tpu.memory_space<hbm>> -> memref<1664xi32, #tpu.memory_space<hbm>>
        %dma_wait3A_19 = tpu.memref_slice %arg3[%add3A_11] : memref<425984xi32, #tpu.memory_space<hbm>> -> memref<1664xi32, #tpu.memory_space<hbm>>
        tpu.wait_dma2 semaphore(%run_scoped3A : memref<!tpu.dma_semaphore, #tpu.memory_space<semaphore_mem>>) src(%dma_wait3A_19 : memref<1664xi32, #tpu.memory_space<hbm>>) dst(%arg5 : memref<1664xi32, #tpu.memory_space<vmem>>)
        tpu.yield
      }) : () -> ()
      %dma_start3A = arith.constant 0 : i32
      %dma_start3A_12 = arith.constant 0 : i32
      %dma_start3A_13 = tpu.memref_slice %arg2[%dma_start3A, %dma_start3A_12] : memref<2602496x32xf32, #tpu.memory_space<hbm>> -> memref<2602496x32xf32, #tpu.memory_space<hbm>>
      tpu.enqueue_indirect_dma source(%dma_start3A_13 : memref<2602496x32xf32, #tpu.memory_space<hbm>>) target(%arg6 : memref<1664x32xf32, #tpu.memory_space<vmem>>) offsets(%arg5 : memref<1664xi32, #tpu.memory_space<vmem>>) semaphore(%arg7 : memref<!tpu.dma_semaphore, #tpu.memory_space<semaphore_mem>>)
      %dma_wait3A = arith.constant 0 : i32
      %dma_wait3A_14 = arith.constant 0 : i32
      %dma_wait3A_15 = tpu.memref_slice %arg2[%dma_wait3A, %dma_wait3A_14] : memref<2602496x32xf32, #tpu.memory_space<hbm>> -> memref<2602496x32xf32, #tpu.memory_space<hbm>>
      tpu.wait_indirect_dma semaphore(%arg7 : memref<!tpu.dma_semaphore, #tpu.memory_space<semaphore_mem>>) src(%dma_wait3A_15 : memref<2602496x32xf32, #tpu.memory_space<hbm>>) dst(%arg6 : memref<1664x32xf32, #tpu.memory_space<vmem>>)
      "tpu.region"() ({
        %run_scoped3A = tpu.sem_alloc : memref<!tpu.dma_semaphore, #tpu.memory_space<semaphore_mem>>
        %dma_start3A_16 = arith.constant 0 : i32
        %dma_start3A_17 = tpu.memref_slice %arg4[%add3A_11, %dma_start3A_16] : memref<425984x32xf32, #tpu.memory_space<hbm>> -> memref<1664x32xf32, #tpu.memory_space<hbm>>
        %dma_start3A_18 = arith.constant 0 : i32
        %dma_start3A_19 = tpu.memref_slice %arg4[%add3A_11, %dma_start3A_18] : memref<425984x32xf32, #tpu.memory_space<hbm>> -> memref<1664x32xf32, #tpu.memory_space<hbm>>
        tpu.enqueue_dma source(%arg6 : memref<1664x32xf32, #tpu.memory_space<vmem>>) target(%dma_start3A_19 : memref<1664x32xf32, #tpu.memory_space<hbm>>) target_semaphore(%run_scoped3A : memref<!tpu.dma_semaphore, #tpu.memory_space<semaphore_mem>>)
        %dma_wait3A_20 = arith.constant 0 : i32
        %dma_wait3A_21 = tpu.memref_slice %arg4[%add3A_11, %dma_wait3A_20] : memref<425984x32xf32, #tpu.memory_space<hbm>> -> memref<1664x32xf32, #tpu.memory_space<hbm>>
        %dma_wait3A_22 = arith.constant 0 : i32
        %dma_wait3A_23 = tpu.memref_slice %arg4[%add3A_11, %dma_wait3A_22] : memref<425984x32xf32, #tpu.memory_space<hbm>> -> memref<1664x32xf32, #tpu.memory_space<hbm>>
        tpu.wait_dma2 semaphore(%run_scoped3A : memref<!tpu.dma_semaphore, #tpu.memory_space<semaphore_mem>>) src(%arg6 : memref<1664x32xf32, #tpu.memory_space<vmem>>) dst(%dma_wait3A_23 : memref<1664x32xf32, #tpu.memory_space<hbm>>)
        tpu.yield
      }) : () -> ()
    }
    %scan3A_7 = arith.constant 8 : i32
    return
  }
}

module attributes {stable_mosaic.version = 14 : i64} {
  func.func @_fmt_body(%arg0: i32, %arg1: i32, %arg2: memref<1x32x50048xf32, #tpu.memory_space<vmem>>, %arg3: memref<12512x128xf32, #tpu.memory_space<vmem>>) attributes {dimension_semantics = [#tpu.dimension_semantics<arbitrary>, #tpu.dimension_semantics<arbitrary>], iteration_bounds = array<i64: 26, 2>, scalar_prefetch = 0 : i64, scratch_operands = 0 : i64, tpu.core_type = #tpu.core_type<tc>, window_params = [{transform_indices = @transform_0, window_bounds = array<i64: 1, 32, 50048>}, {transform_indices = @transform_1, window_bounds = array<i64: 12512, 128>}]} {
    %get3A = arith.constant 0 : index
    %get3A_0 = arith.constant 0 : index
    %get3A_1 = arith.constant 0 : index
    %get3A_2 = vector.load %arg2[%get3A, %get3A_0, %get3A_1] : memref<1x32x50048xf32, #tpu.memory_space<vmem>>, vector<1x32x50048xf32>
    %get3A_3 = vector.shape_cast %get3A_2 : vector<1x32x50048xf32> to vector<32x50048xf32>
    %iota3A = tpu.iota {dimensions = array<i32: 1>} : vector<32x50048xi32>
    %mul3A = arith.constant 50048 : i32
    %mul3A_4 = arith.muli %arg1, %mul3A : i32
    %add3A = vector.broadcast %mul3A_4 : i32 to vector<32x50048xi32>
    %add3A_5 = arith.addi %iota3A, %add3A : vector<32x50048xi32>
    %lt3A = arith.constant 100000 : i32
    %lt3A_6 = vector.broadcast %lt3A : i32 to vector<32x50048xi32>
    %lt3A_7 = arith.cmpi slt, %add3A_5, %lt3A_6 : vector<32x50048xi32>
    %jit3A = arith.constant 0.000000e+00 : f32
    %broadcast_in_dim3A = vector.broadcast %jit3A : f32 to vector<32x50048xf32>
    %select_n3A = arith.select %lt3A_7, %get3A_3, %broadcast_in_dim3A : vector<32x50048xi1>, vector<32x50048xf32>
    %slice3A = vector.extract_strided_slice %select_n3A {offsets = [0, 0], sizes = [32, 12512], strides = [1, 1]} : vector<32x50048xf32> to vector<32x12512xf32>
    %slice3A_8 = vector.extract_strided_slice %select_n3A {offsets = [0, 12512], sizes = [32, 12512], strides = [1, 1]} : vector<32x50048xf32> to vector<32x12512xf32>
    %slice3A_9 = vector.extract_strided_slice %select_n3A {offsets = [0, 25024], sizes = [32, 12512], strides = [1, 1]} : vector<32x50048xf32> to vector<32x12512xf32>
    %slice3A_10 = vector.extract_strided_slice %select_n3A {offsets = [0, 37536], sizes = [32, 12512], strides = [1, 1]} : vector<32x50048xf32> to vector<32x12512xf32>
    %concatenate3A = tpu.concatenate %slice3A, %slice3A_8, %slice3A_9, %slice3A_10 in 0 : vector<32x12512xf32>, vector<32x12512xf32>, vector<32x12512xf32>, vector<32x12512xf32> -> vector<128x12512xf32>
    %iota3A_11 = tpu.iota {dimensions = array<i32: 0>} : vector<128x128xi32>
    %iota3A_12 = tpu.iota {dimensions = array<i32: 1>} : vector<128x128xi32>
    %add3A_13 = arith.constant 0 : i32
    %add3A_14 = vector.broadcast %add3A_13 : i32 to vector<128x128xi32>
    %add3A_15 = arith.addi %iota3A_11, %add3A_14 : vector<128x128xi32>
    %eq3A = arith.cmpi eq, %add3A_15, %iota3A_12 : vector<128x128xi32>
    %convert_element_type3A = arith.extui %eq3A : vector<128x128xi1> to vector<128x128xi32>
    %convert_element_type3A_16 = arith.sitofp %convert_element_type3A : vector<128x128xi32> to vector<128x128xf32>
    %dot_general3A = arith.constant dense<0.000000e+00> : vector<12512x128xf32>
    %dot_general3A_17 = tpu.matmul %concatenate3A, %convert_element_type3A_16, %dot_general3A {dimension_numbers = #tpu.dot_dimension_numbers<[0], [0], [1], [1], [0, 1, 1, 1], [], []>, transpose_lhs_hint = false} : vector<128x12512xf32>, vector<128x128xf32>, vector<12512x128xf32> -> vector<12512x128xf32>
    %swap3A = arith.constant 0 : index
    %swap3A_18 = arith.constant 0 : index
    %swap3A_19 = vector.load %arg3[%swap3A, %swap3A_18] : memref<12512x128xf32, #tpu.memory_space<vmem>>, vector<12512x128xf32>
    tpu.vector_store %arg3[%swap3A, %swap3A_18], %dot_general3A_17 {strides = array<i32>} : memref<12512x128xf32, #tpu.memory_space<vmem>>, vector<12512x128xf32>,
    return
  }
  func.func @transform_0(%arg0: i32, %arg1: i32) -> (i32, i32, i32) {
    %c0_i32 = arith.constant 0 : i32
    %c0_i32_0 = arith.constant 0 : i32
    return %arg0, %c0_i32, %arg1 : i32, i32, i32
  }
  func.func @transform_1(%arg0: i32, %arg1: i32) -> (i32, i32) {
    %mul3A = arith.constant 2 : i32
    %mul3A_0 = arith.muli %arg0, %mul3A : i32
    %add3A = arith.addi %mul3A_0, %arg1 : i32
    %c0_i32 = arith.constant 0 : i32
    %c0_i32_1 = arith.constant 0 : i32
    return %add3A, %c0_i32 : i32, i32
  }
}

module attributes {stable_mosaic.version = 14 : i64} {
  func.func @_mlp_body(%arg0: i32, %arg1: memref<1024x832xf32, #tpu.memory_space<vmem>>, %arg2: memref<1024x13xf32, #tpu.memory_space<vmem>>, %arg3: memref<832x64xf32, #tpu.memory_space<vmem>>, %arg4: memref<13x64xf32, #tpu.memory_space<vmem>>, %arg5: memref<1x64xf32, #tpu.memory_space<vmem>>, %arg6: memref<64x32xf32, #tpu.memory_space<vmem>>, %arg7: memref<1x32xf32, #tpu.memory_space<vmem>>, %arg8: memref<1024x32xf32, #tpu.memory_space<vmem>>) attributes {dimension_semantics = [#tpu.dimension_semantics<arbitrary>], iteration_bounds = array<i64: 16>, scalar_prefetch = 0 : i64, scratch_operands = 0 : i64, tpu.core_type = #tpu.core_type<tc>, window_params = [{transform_indices = @transform_0, window_bounds = array<i64: 1024, 832>}, {transform_indices = @transform_1, window_bounds = array<i64: 1024, 13>}, {pipeline_mode = #tpu.pipeline_mode<synchronous>, transform_indices = @transform_2, window_bounds = array<i64: 832, 64>}, {pipeline_mode = #tpu.pipeline_mode<synchronous>, transform_indices = @transform_3, window_bounds = array<i64: 13, 64>}, {pipeline_mode = #tpu.pipeline_mode<synchronous>, transform_indices = @transform_4, window_bounds = array<i64: 1, 64>}, {pipeline_mode = #tpu.pipeline_mode<synchronous>, transform_indices = @transform_5, window_bounds = array<i64: 64, 32>}, {pipeline_mode = #tpu.pipeline_mode<synchronous>, transform_indices = @transform_6, window_bounds = array<i64: 1, 32>}, {transform_indices = @transform_7, window_bounds = array<i64: 1024, 32>}]} {
    %get3A = arith.constant 0 : index
    %get3A_0 = arith.constant 0 : index
    %get3A_1 = vector.load %arg1[%get3A, %get3A_0] : memref<1024x832xf32, #tpu.memory_space<vmem>>, vector<1024x832xf32>
    %get3A_2 = arith.constant 0 : index
    %get3A_3 = arith.constant 0 : index
    %get3A_4 = vector.load %arg3[%get3A_2, %get3A_3] : memref<832x64xf32, #tpu.memory_space<vmem>>, vector<832x64xf32>
    %dot_general3A = arith.constant dense<0.000000e+00> : vector<1024x64xf32>
    %dot_general3A_5 = tpu.matmul %get3A_1, %get3A_4, %dot_general3A {dimension_numbers = #tpu.dot_dimension_numbers<[1], [0], [0], [1], [0, 0, 1, 1], [], []>, transpose_lhs_hint = false} : vector<1024x832xf32>, vector<832x64xf32>, vector<1024x64xf32> -> vector<1024x64xf32>
    %get3A_6 = arith.constant 0 : index
    %get3A_7 = arith.constant 0 : index
    %get3A_8 = vector.load %arg2[%get3A_6, %get3A_7] : memref<1024x13xf32, #tpu.memory_space<vmem>>, vector<1024x13xf32>
    %get3A_9 = arith.constant 0 : index
    %get3A_10 = arith.constant 0 : index
    %get3A_11 = vector.load %arg4[%get3A_9, %get3A_10] : memref<13x64xf32, #tpu.memory_space<vmem>>, vector<13x64xf32>
    %dot_general3A_12 = arith.constant dense<0.000000e+00> : vector<1024x64xf32>
    %dot_general3A_13 = tpu.matmul %get3A_8, %get3A_11, %dot_general3A_12 {dimension_numbers = #tpu.dot_dimension_numbers<[1], [0], [0], [1], [0, 0, 1, 1], [], []>, transpose_lhs_hint = false} : vector<1024x13xf32>, vector<13x64xf32>, vector<1024x64xf32> -> vector<1024x64xf32>
    %add3A = arith.addf %dot_general3A_5, %dot_general3A_13 : vector<1024x64xf32>
    %get3A_14 = arith.constant 0 : index
    %get3A_15 = arith.constant 0 : index
    %get3A_16 = vector.load %arg5[%get3A_14, %get3A_15] : memref<1x64xf32, #tpu.memory_space<vmem>>, vector<1x64xf32>
    %add3A_17 = vector.broadcast %get3A_16 : vector<1x64xf32> to vector<1024x64xf32>
    %add3A_18 = arith.addf %add3A, %add3A_17 : vector<1024x64xf32>
    %max3A = arith.constant 0.000000e+00 : f32
    %max3A_19 = vector.broadcast %max3A : f32 to vector<1024x64xf32>
    %max3A_20 = arith.maximumf %add3A_18, %max3A_19 : vector<1024x64xf32>
    %get3A_21 = arith.constant 0 : index
    %get3A_22 = arith.constant 0 : index
    %get3A_23 = vector.load %arg6[%get3A_21, %get3A_22] : memref<64x32xf32, #tpu.memory_space<vmem>>, vector<64x32xf32>
    %dot_general3A_24 = arith.constant dense<0.000000e+00> : vector<1024x32xf32>
    %dot_general3A_25 = tpu.matmul %max3A_20, %get3A_23, %dot_general3A_24 {dimension_numbers = #tpu.dot_dimension_numbers<[1], [0], [0], [1], [0, 0, 1, 1], [], []>, transpose_lhs_hint = false} : vector<1024x64xf32>, vector<64x32xf32>, vector<1024x32xf32> -> vector<1024x32xf32>
    %get3A_26 = arith.constant 0 : index
    %get3A_27 = arith.constant 0 : index
    %get3A_28 = vector.load %arg7[%get3A_26, %get3A_27] : memref<1x32xf32, #tpu.memory_space<vmem>>, vector<1x32xf32>
    %add3A_29 = vector.broadcast %get3A_28 : vector<1x32xf32> to vector<1024x32xf32>
    %add3A_30 = arith.addf %dot_general3A_25, %add3A_29 : vector<1024x32xf32>
    %max3A_31 = arith.constant 0.000000e+00 : f32
    %max3A_32 = vector.broadcast %max3A_31 : f32 to vector<1024x32xf32>
    %max3A_33 = arith.maximumf %add3A_30, %max3A_32 : vector<1024x32xf32>
    %swap3A = arith.constant 0 : index
    %swap3A_34 = arith.constant 0 : index
    %swap3A_35 = vector.load %arg8[%swap3A, %swap3A_34] : memref<1024x32xf32, #tpu.memory_space<vmem>>, vector<1024x32xf32>
    tpu.vector_store %arg8[%swap3A, %swap3A_34], %max3A_33 {strides = array<i32>} : memref<1024x32xf32, #tpu.memory_space<vmem>>, vector<1024x32xf32>,
    return
  }
  func.func @transform_0(%arg0: i32) -> (i32, i32) {
    %c0_i32 = arith.constant 0 : i32
    %c0_i32_0 = arith.constant 0 : i32
    return %arg0, %c0_i32 : i32, i32
  }
  func.func @transform_1(%arg0: i32) -> (i32, i32) {
    %c0_i32 = arith.constant 0 : i32
    %c0_i32_0 = arith.constant 0 : i32
    return %arg0, %c0_i32 : i32, i32
  }
  func.func @transform_2(%arg0: i32) -> (i32, i32) {
    %c0_i32 = arith.constant 0 : i32
    %c0_i32_0 = arith.constant 0 : i32
    %c0_i32_1 = arith.constant 0 : i32
    return %c0_i32, %c0_i32_0 : i32, i32
  }
  func.func @transform_3(%arg0: i32) -> (i32, i32) {
    %c0_i32 = arith.constant 0 : i32
    %c0_i32_0 = arith.constant 0 : i32
    %c0_i32_1 = arith.constant 0 : i32
    return %c0_i32, %c0_i32_0 : i32, i32
  }
  func.func @transform_4(%arg0: i32) -> (i32, i32) {
    %c0_i32 = arith.constant 0 : i32
    %c0_i32_0 = arith.constant 0 : i32
    %c0_i32_1 = arith.constant 0 : i32
    return %c0_i32, %c0_i32_0 : i32, i32
  }
  func.func @transform_5(%arg0: i32) -> (i32, i32) {
    %c0_i32 = arith.constant 0 : i32
    %c0_i32_0 = arith.constant 0 : i32
    %c0_i32_1 = arith.constant 0 : i32
    return %c0_i32, %c0_i32_0 : i32, i32
  }
  func.func @transform_6(%arg0: i32) -> (i32, i32) {
    %c0_i32 = arith.constant 0 : i32
    %c0_i32_0 = arith.constant 0 : i32
    %c0_i32_1 = arith.constant 0 : i32
    return %c0_i32, %c0_i32_0 : i32, i32
  }
  func.func @transform_7(%arg0: i32) -> (i32, i32) {
    %c0_i32 = arith.constant 0 : i32
    %c0_i32_0 = arith.constant 0 : i32
    return %arg0, %c0_i32 : i32, i32
  }
}

</mosaic_0001>

<sc_bundles>
// kernel: kernel.5.cloned.1.call-start
scs
__scs_entry_jumppad:
0x0: {  	(pc) =	sbr.rel $0x88, $3  }
0x1: {  	(tag) =	ssettag $0x0;
	lr =	simm.s32 $0x1  }
0x2: {  	[smem:$0x3F9A] =	sst lr;
	_ =	strace $0xD0000000  }
0x3: {  	_ = 	snop  }
0x4: {  	_ = 	snop  }
0x5: {  	_ = 	snop  }
0x6: {  	_ = 	snop  }
0x7: {  	_ = 	snop  }
__scs_overlays_trampoline_lowered:
0x8: {  	[smem:$0x3FA9] =	sst s0  }
0x9: {  	[smem:$0x3FAA] =	sst s1  }
0xa: {  	[smem:$0x3FAB] =	sst s2  }
0xb: {  	[smem:$0x3FAC] =	sst s3  }
0xc: {  	[smem:$0x3FAD] =	sst s4  }
0xd: {  	[smem:$0x3FAE] =	sst s5  }
0xe: {  	[smem:$0x3FAF] =	sst s6  }
0xf: {  	[smem:$0x3FB0] =	sst s7  }
0x10: {  	[smem:$0x3FB1] =	sst s8  }
0x11: {  	[smem:$0x3FB2] =	sst s9;
	s0 =	simm.s32 @!p0 $0x0  }
0x12: {  	s1 =	sld [smem:$0x3F98];
	s0 =	simm.s32 @p0 $0x1  }
0x13: {  	[smem:$0x3FB3] =	sst s0;
	s0 =	simm.s32 @!p1 $0x0  }
0x14: {  	s2 =	sld [smem:$0x3F97];
	s0 =	simm.s32 @p1 $0x1  }
0x15: {  	[smem:$0x3FB4] =	sst s0;
	s0 =	simm.s32 @!p2 $0x0  }
0x16: {  	s3 =	sld [smem:$0x3FDB];
	s0 =	simm.s32 @p2 $0x1  }
0x17: {  	s4 =	simm.s32 $0x1BF5;
	[smem:$0x3FB6] =	sst s0  }
0x18: {  	s0 =	sld [smem:$0x3F99];
	_ =	swait.ge [sflag:s4], $0x0  }
0x19: {  	s7 =	sld [smem:$0x3F9A]  }
0x1a: {  	s8 =	sadd.s32 $0xFFFFE003, lr  }
0x1b: {  	s9 =	sadd.s32 $0xFFFFFEF7, lr;
	s5 =	simm.s32 $0xFFFFFFFF;
	p2 =	slt.u32 s8, $0xFFFFF086  }
0x1c: {  	p1 =	slt.u32 s9, $0xF7A;
	s5 =	simm.s32 @!p2 $0x0  }
0x1d: {  	s5 =	simm.s32 @p1 $0x1;
	p0 =	seq.s32 s7, s2  }
0x1e: {  	s7 =	smul.u32 @!p0 $0xF7A, s2;
	p2 =	seq.s32 @!p0 s5, $0x0  }
0x1f: {  	s9 =	smul.u32 $0xF7A, s1;
	s8 =	simm.s32 @!p0 $0x1BF5;
	p2 =	por !p2, p0  }
0x20: {  	[sflag:s8] =	ssyncset.s32 @!p0 $0xFFFFF086;
	s6 =	sadd.s32 @!p0 s3, s7;
	s7 =	simm.s32 @!p0 $0x108  }
0x21: {  	s3 =	sadd.s32 s3, s9;
	s6 =	sadd.s32 @!p0 $0x88, s6;
	s7 =	simm.s32 @p2 $0x1082  }
0x22: {  	[simem:s7], [sflag:s8] =	dma.local @!p0 [hbm:s6], $0xF7A  }
0x23: {  	s9 =	sor.u32 $0xD0000000, s2;
	s6 =	simm.s32 $0x108;
	_ =	swait.ge @!p0 [sflag:s8], $0x0  }
0x24: {  	s3 =	sadd.s32 $0x88, s3;
	s6 =	simm.s32 @!p1 $0x1082;
	[sflag:s4] =	ssyncset.s32 $0xFFFFF086  }
0x25: {  	[simem:s6], [sflag:s4] =	dma.local [hbm:s3], $0xF7A  }
0x26: {  	[smem:$0x3F9A] =	sst s1;
	(tag) =	ssettag s2;
	_ =	strace s9  }
0x27: {  	s1 =	sld [smem:$0x3FAA]  }
0x28: {  	s2 =	sld [smem:$0x3FAB]  }
0x29: {  	s4 =	sld [smem:$0x3FAD]  }
0x2a: {  	p0 =	seq.s32 s5, $0x0;
	s5 =	sld [smem:$0x3FAE]  }
0x2b: {  	s6 =	sld [smem:$0x3FAF]  }
0x2c: {  	s7 =	sld [smem:$0x3FB0]  }
0x2d: {  	s3 =	simm.s32 $0x108;
	s8 =	sld [smem:$0x3FB1]  }
0x2e: {  	s3 =	simm.s32 @!p0 $0x1082;
	s9 =	sld [smem:$0x3FB2]  }
0x2f: {  	lr =	sadd.s32 s0, s3;
	s0 =	sld [smem:$0x3FA9]  }
0x30: {  	s3 =	sld [smem:$0x3FAC]  }
0x31: {  	[smem:$0x3FB5] =	sst s10  }
0x32: {  	s10 =	sld [smem:$0x3FB3];
	_ =	sdelay $0x3  }
0x33: {  	p0 =	seq.s32 s10, $0x1;
	s10 =	sld [smem:$0x3FB5];
	_ =	sdelay $0x3  }
0x34: {  	[smem:$0x3FB5] =	sst s10  }
0x35: {  	s10 =	sld [smem:$0x3FB4];
	_ =	sdelay $0x3  }
0x36: {  	p1 =	seq.s32 s10, $0x1;
	s10 =	sld [smem:$0x3FB5];
	_ =	sdelay $0x3  }
0x37: {  	[smem:$0x3FB5] =	sst s10  }
0x38: {  	s10 =	sld [smem:$0x3FB6]  }
0x39: {  	_ = 	snop;
	(pc) =	sbr.ind lr, $3  }
0x3a: {  	_ = 	snop  }
0x3b: {  	_ = 	snop  }
0x3c: {  	p2 =	seq.s32 s10, $0x1;
	s10 =	sld [smem:$0x3FB5]  }
0x3d: {  	_ =	shalt  }
0x3e: {  	_ =	shalt  }
0x3f: {  	_ =	shalt  }
0x40: {  	_ =	shalt  }
0x41: {  	_ =	shalt  }
0x42: {  	_ =	shalt  }
0x43: {  	_ =	shalt  }
0x44: {  	_ =	shalt  }
0x45: {  	_ =	shalt  }
0x46: {  	_ =	shalt  }
0x47: {  	_ =	shalt  }
0x48: {  	_ =	shalt  }
0x49: {  	_ =	shalt  }
0x4a: {  	_ =	shalt  }
0x4b: {  	_ =	shalt  }
0x4c: {  	_ =	shalt  }
0x4d: {  	_ =	shalt  }
0x4e: {  	_ =	shalt  }
0x4f: {  	_ =	shalt  }
0x50: {  	_ =	shalt  }
0x51: {  	_ =	shalt  }
0x52: {  	_ =	shalt  }
0x53: {  	_ =	shalt  }
0x54: {  	_ =	shalt  }
0x55: {  	_ =	shalt  }
0x56: {  	_ =	shalt  }
0x57: {  	_ =	shalt  }
0x58: {  	_ =	shalt  }
0x59: {  	_ =	shalt  }
0x5a: {  	_ =	shalt  }
0x5b: {  	_ =	shalt  }
0x5c: {  	_ =	shalt  }
0x5d: {  	_ =	shalt  }
0x5e: {  	_ =	shalt  }
0x5f: {  	_ =	shalt  }
0x60: {  	_ =	shalt  }
0x61: {  	_ =	shalt  }
0x62: {  	_ =	shalt  }
0x63: {  	_ =	shalt  }
0x64: {  	_ =	shalt  }
0x65: {  	_ =	shalt  }
0x66: {  	_ =	shalt  }
0x67: {  	_ =	shalt  }
0x68: {  	_ =	shalt  }
0x69: {  	_ =	shalt  }
0x6a: {  	_ =	shalt  }
0x6b: {  	_ =	shalt  }
0x6c: {  	_ =	shalt  }
0x6d: {  	_ =	shalt  }
0x6e: {  	_ =	shalt  }
0x6f: {  	_ =	shalt  }
0x70: {  	_ =	shalt  }
0x71: {  	_ =	shalt  }
0x72: {  	_ =	shalt  }
0x73: {  	_ =	shalt  }
0x74: {  	_ =	shalt  }
0x75: {  	_ =	shalt  }
0x76: {  	_ =	shalt  }
0x77: {  	_ =	shalt  }
0x78: {  	_ =	shalt  }
0x79: {  	_ =	shalt  }
0x7a: {  	_ =	shalt  }
0x7b: {  	_ =	shalt  }
0x7c: {  	_ =	shalt  }
0x7d: {  	_ =	shalt  }
0x7e: {  	_ =	shalt  }
0x7f: {  	_ =	shalt  }
0x80: {  	_ =	shalt  }
0x81: {  	_ =	shalt  }
0x82: {  	_ =	shalt  }
0x83: {  	_ =	shalt  }
0x84: {  	_ =	shalt  }
0x85: {  	_ =	shalt  }
0x86: {  	_ =	shalt  }
0x87: {  	_ =	shalt  }
.Lfunc_end0:
.L_simem_size_0:
called_computation_lowered:
.L_overlay_start_0:
0x88: {  	s2 =	sld [smem:$0x3FD9]  }
0x89: {  	s3 =	sld [smem:$0x3FFE];
	_ =	sdelay $0x1  }
0x8a: {  	s1 =	srdreg.scid  }
0x8b: {  	s0 =	sand.u32 $0x1, s1  }
0x8c: {  	s17 =	sshll.u32 s0, $0xA;
	s2 =	sadd.s32 s3, s2  }
0x8d: {  	s2 =	sadd.s32 s2, s17  }
0x8e: {  	[smem:$0x3FC1] =	sst s2  }
0x8f: {  	_ = 	snop  }
0x90: {  	s2 =	sld [smem:$0x3FD0];
	(tm) =	ssettm $0x1  }
0x91: {  	s18 =	sld [smem:$0x3FFB];
	_ =	sdelay $0x3  }
0x92: {  	_ =	strace s18  }
0x93: {  	s3 =	sld [smem:$0x3FFC];
	_ =	sdelay $0x3  }
0x94: {  	_ =	strace s3  }
0x95: {  	s3 =	sld [smem:$0x3FFD];
	_ =	sdelay $0x3  }
0x96: {  	_ =	strace s3  }
0x97: {  	_ =	strace $0x8FFFFFFF  }
0x98: {  	s19 =	sld [smem:$0x3FDB];
	_ =	sdelay $0x1  }
0x99: {  	s4 =	simm.s32 $_scs_section_size  }
0x9a: {  	s5 =	simm.s32 $_size__tile_overlayer_lowered;
	s6 =	simm.s32 $_tile_overlayer_lowered  }
0x9b: {  	s22 =	simm.s32 $0x1BFF;
	s21 =	sshll.u32 s6, $0x1;
	s3 =	sadd.s32 s4, s19  }
0x9c: {  	s7 =	simm.s32 $0x0;
	s20 =	sshll.u32 s5, $0x1;
	s5 =	sadd.s32 s21, s3  }
0x9d: {  	[timem:s7], [sflag:s22] =	dma.local [hbm:s5], s20  }
0x9e: {  	_ =	swait.ge [sflag:s22], s20  }
0x9f: {  	s4 =	ssub.s32 $0x0, s20;
	[sflag:s22] =	ssyncset.done $0x0  }
0xa0: {  	[sflag:s22] =	ssyncadd.s32 s4;
	_ =	sdelay $0x1  }
0xa1: {  	s23 =	simm.s32 $0x1B8B  }
0xa2: {  	_ =	swait.ge [sflag:s23], $0x1  }
0xa3: {  	[sflag:s23] =	ssyncset.done $0x0  }
0xa4: {  	s25 =	simm.s32 $0x1B8E;
	s24 =	sld [smem:$0x3FFE];
	[sflag:s23] =	ssyncadd.s32 $0xFFFFFFFF  }
0xa5: {  	s26 =	simm.s32 $execute0_lowered;
	[smem:$0x3FD2] =	sst s25  }
0xa6: {  	s5 =	sshll.u32 s26, $0x1;
	_ =	strace $0x80000046;
	[dreg:$0x1] =	wrdreg $0xFFFFFFFF  }
0xa7: {  	s28 =	simm.s32 $_size_execute0_lowered;
	s3 =	sadd.s32 s3, s5;
	[dreg:$0x0] =	wrdreg $0x0  }
0xa8: {  	s5 =	sshll.u32 s28, $0x1;
	[dreg:$0x2] =	wrdreg s3  }
0xa9: {  	[dreg:$0x3] =	wrdreg s5  }
0xaa: {  	[dreg:$0x4] =	wrdreg $0xC0  }
0xab: {  	_ =	task [dreg:s7], $0x5FFFF  }
0xac: {  	[dreg:$0x1] =	wrdreg $0xFFFFFFFF  }
0xad: {  	[dreg:$0x0] =	wrdreg $0x60  }
0xae: {  	[dreg:$0x2] =	wrdreg s24  }
0xaf: {  	[dreg:$0x3] =	wrdreg s2  }
0xb0: {  	[dreg:$0x4] =	wrdreg $0x9  }
0xb1: {  	_ =	task.clear_ibuf [dreg:s7], $0x5FFFF;
	_ =	strace $0x90000046  }
0xb2: {  	s29 =	simm.s32 $0x9;
	_ =	strace $0x80000048  }
0xb3: {  	_ =	swait.ge [sflag:s29], $0x1  }
0xb4: {  	[sflag:s29] =	ssyncadd.s32 $0xFFFFFFFF  }
0xb5: {  	_ =	strace $0x90000048  }
0xb6: {  	_ =	sfence  }
0xb7: {  	s30 =	sld [smem:$0x0];
	_ =	sdelay $0x2  }
0xb8: {  	s31 =	sshll.u32 s1, $0xD;
	s1 =	sshrl.u32 s1, $0x2  }
0xb9: {  	s3 =	sand.u32 $0x4000, s31;
	s1 =	sadd.s32 s1, s30  }
0xba: {  	s0 =	sor.u32 s3, s0;
	s1 =	sshll.u32 s1, $0x11  }
0xbb: {  	s0 =	sor.u32 s1, s0  }
0xbc: {  	s0 =	sadd.s32 $0x8F2B, s0  }
0xbd: {  	[sflag:s0] =	ssyncadd.remote.s32 $0x1  }
0xbe: {  	_ =	sfence.sel $0xFFFF  }
0xbf: {  	[dreg:$0x0] =	wrdreg $0xFFFFFFFF;
	(pc) =	sbr.abs _section_cstart, $3  }
0xc0: {  	[dreg:$0x1] =	wrdreg $0xFFFFFFFF  }
0xc1: {  	_ =	task.clear_ibuf [dreg:s7], $0x2FFFF;
	_ =	strace $0x9FFFFFFF  }
0xc2: {  	(tm) =	ssettm $0x7FFFFFFF  }
0xc3: {  	_ =	shalt  }
tec
execute0_lowered:
.L_overlay_start_1:
0x0: {  	(tag) =	ssettag $0x1  }
0x1: {  	s3 =	rddreg [dreg:$0x0]  }
0x2: {  	s6 =	rddreg [dreg:$0x1]  }
0x3: {  	s0 =	rddreg [dreg:$0x2];
	s1 =	stileid.u32  }
0x4: {  	s2 =	simm.s32 $0x0;
	s5 =	srdreg.scid;
	s4 =	smul.u32 $0x1A000, s1  }
0x5: {  	[smem:$0x7FF] =	sst s2;
	s5 =	sand.u32 $0x1, s5;
	s7 =	smul.u32 $0x6800, s1  }
0x6: {  	_ =	strace $0x80000047;
	s8 =	ssub.s32 $0x2, s5;
	s9 =	smul.u32 $0x3400, s5  }
0x7: {  	s5 =	smul.u32 $0xD000, s5;
	s10 =	sadd.s32 s4, s3;
	s31 =	sshrl.u32 s8, $0x1  }
0x8: {  	s3 =	sadd.s32 $0x1200, s3;
	s4 =	ssub.s32 s8, s31;
	s7 =	sadd.s32 s9, s7  }
0x9: {  	s5 =	sadd.s32 s5, s10;
	s8 =	simm.s32 $0x680;
	s9 =	simm.s32 $0x1  }
0xa: {  	s10 =	simm.s32 $0x0;
	s4 =	smax.u32 s4, $0x1;
	s7 =	sshrl.u32 s7, $0x3  }
0xb: {  	s5 =	sadd.s32 $0x9EEA00, s5;
	s6 =	sadd.s32 s7, s6;
	s7 =	simm.s32 $0x2  }
.LBB2_1:
0xc: {  	s11 =	sadd.s32 $0x0, s6  }
0xd: {  	[tilespmem:s2], [sflag:$0x2] =	stream.linear.gather [hbm4b:s11+s2], $0x680, $0x38;
	[tilespmem:$0xD680] =	vst v63  }
0xe: {  	_ =	swait.ge [sflag:s7], $0x680  }
0xf: {  	[sflag:s7] =	ssyncset.done $0x0  }
0x10: {  	[sflag:s7] =	ssyncadd.s32 $0xFFFFF980  }
0x11: {  	[tilespmem:s8], [sflag:$0x1] =	stream.indirect.gather [hbm4b:s3+s8], $0x20, s2, s8, $0xb8;
	[tilespmem:$0xD680] =	vst v63  }
0x12: {  	_ =	swait.ge [sflag:s9], $0xD000  }
0x13: {  	[sflag:s9] =	ssyncset.done $0x0  }
0x14: {  	[sflag:s9] =	ssyncadd.s32 $0xFFFF3000  }
0x15: {  	[hbm4b:s5+s2] =	stream.linear.scatter [tilespmem:s8], [sflag:$0x2], $0xD000, $0x38;
	[tilespmem:$0xD680] =	vst v63  }
0x16: {  	s12 =	simm.s32 $0xD0;
	_ =	swait.ge [sflag:s7], $0xD000  }
0x17: {  	s13 =	simm.s32 $0x1A0;
	s11 =	sadd.s32 $0x1A00, s5;
	[sflag:s7] =	ssyncset.done $0x0  }
.LBB2_2:
0x18: {  	s14 =	sadd.s32 s12, s6  }
0x19: {  	[sflag:s7] =	ssyncadd.s32 $0xFFFF3000;
	s12 =	smov.u32 s13;
	s15 =	sadd.s32 $0xD0, s13  }
0x1a: {  	[tilespmem:s2], [sflag:$0x2] =	stream.linear.gather [hbm4b:s14+s2], $0x680, $0x38;
	[tilespmem:$0xD680] =	vst v63  }
0x1b: {  	p0 =	sne.s32 s13, $0x5B0;
	_ =	swait.ge [sflag:s7], $0x680  }
0x1c: {  	[sflag:s7] =	ssyncset.done $0x0  }
0x1d: {  	[sflag:s7] =	ssyncadd.s32 $0xFFFFF980  }
0x1e: {  	[tilespmem:s8], [sflag:$0x1] =	stream.indirect.gather [hbm4b:s3+s8], $0x20, s2, s8, $0xb8;
	[tilespmem:$0xD680] =	vst v63  }
0x1f: {  	_ =	swait.ge [sflag:s9], $0xD000  }
.Ltmp0:
0x20: {  	[sflag:s9] =	ssyncset.done $0x0;
	(pc) =	sbr.rel @p0 .LBB2_2-.Ltmp0, $4  }
0x21: {  	[sflag:s9] =	ssyncadd.s32 $0xFFFF3000  }
0x22: {  	[hbm4b:s11+s2] =	stream.linear.scatter [tilespmem:s8], [sflag:$0x2], $0xD000, $0x38;
	[tilespmem:$0xD680] =	vst v63  }
0x23: {  	_ =	swait.ge [sflag:s7], $0xD000  }
0x24: {  	s13 =	smov.u32 s15;
	s11 =	sadd.s32 $0x1A00, s11;
	[sflag:s7] =	ssyncset.done $0x0  }
0x25: {  	s12 =	sadd.s32 s12, s6;
	[sflag:s7] =	ssyncadd.s32 $0xFFFF3000  }
0x26: {  	[tilespmem:s2], [sflag:$0x2] =	stream.linear.gather [hbm4b:s12+s2], $0x680, $0x38;
	[tilespmem:$0xD680] =	vst v63  }
0x27: {  	_ =	swait.ge [sflag:s7], $0x680  }
0x28: {  	[sflag:s7] =	ssyncset.done $0x0  }
0x29: {  	[sflag:s7] =	ssyncadd.s32 $0xFFFFF980  }
0x2a: {  	[tilespmem:s8], [sflag:$0x1] =	stream.indirect.gather [hbm4b:s3+s8], $0x20, s2, s8, $0xb8;
	[tilespmem:$0xD680] =	vst v63  }
0x2b: {  	s10 =	sadd.s32 $0x1, s10;
	_ =	swait.ge [sflag:s9], $0xD000  }
0x2c: {  	p0 =	sne.s32 s10, s4;
	[sflag:s9] =	ssyncset.done $0x0  }
.Ltmp1:
0x2d: {  	[sflag:s9] =	ssyncadd.s32 $0xFFFF3000;
	(pc) =	sbr.rel @p0 .LBB2_1-.Ltmp1, $4  }
0x2e: {  	[hbm4b:s11+s2] =	stream.linear.scatter [tilespmem:s8], [sflag:$0x2], $0xD000, $0x38;
	[tilespmem:$0xD680] =	vst v63  }
0x2f: {  	_ =	swait.ge [sflag:s7], $0xD000  }
0x30: {  	[sflag:s7] =	ssyncset.done $0x0  }
0x31: {  	[sflag:s7] =	ssyncadd.s32 $0xFFFF3000  }
0x32: {  	_ =	sfence.sel $0x180000  }
0x33: {  	[bflag:$0x0] =	sbarrier.arrive $0xFFFF  }
0x34: {  	p0 =	sne.s32 s1, $0x0;
	_ =	strace $0x90000047  }
0x35: {  	s0 =	sadd.s32 @!p0 $0x100000, s0;
	[bflag:$0x2] =	sbarrier.arrive $0xFFFF  }
0x36: {  	[sflag:s0] =	ssyncadd.tile.s32 @!p0 $0x1;
	_ =	shalt  }
.Lfunc_end2:
_tile_overlayer_lowered:
.L_overlay_start_2:
0x37: {  	(tag) =	ssettag $0x2  }
0x38: {  	s0 =	rddreg [dreg:$0x0];
	s2 =	stileid.u32  }
0x39: {  	s1 =	rddreg [dreg:$0x1];
	p0 =	sne.s32 s2, $0x0  }
0x3a: {  	s3 =	rddreg [dreg:$0x2];
	[bflag:$0x3] =	sbarrier.arrive $0xFFFF;
	s2 =	simm.s32 @!p0 $0x1C02  }
0x3b: {  	[timem:s3], [sflag:s2] =	dma.local @!p0 [hbm:s0], s1  }
0x3c: {  	s0 =	simm.s32 @!p0 $0x2  }
0x3d: {  	_ =	swait.ge @!p0 [sflag:s0], s1  }
0x3e: {  	s1 =	ssub.s32 @!p0 $0x0, s1;
	[sflag:s0] =	ssyncset.done @!p0 $0x0  }
0x3f: {  	[sflag:s0] =	ssyncadd.s32 @!p0 s1  }
0x40: {  	[bflag:$0x3] =	sbarrier.arrive $0xFFFF  }
0x41: {  	_ =	shalt  }

</sc_bundles>
